<compile_context>
chip_gen: v7x
topology: tpu7x:2x2x1
jax: 0.10.2.dev20260603
libtpu: 0.0.44.dev20260713+nightly
codegen_flags: <defaults>
</compile_context>

<pallas_src>
import jax
import jax.numpy as jnp
from jax import lax
from jax.experimental import pallas as pl
from jax.experimental.pallas import tpu as pltpu
from jax.experimental.pallas import tpu_sc as plsc

_NX = 128
_NY = 128
_NV = (_NX + 1) * (_NY + 1)
_L = 16
_NW = 32


def _make_sc_interp(B, N):
    npts = B * N
    ppw = npts // _NW
    rows_per_b = N // ppw
    nsteps = ppw // _L
    mesh = plsc.VectorSubcoreMesh(core_axis_name="c", subcore_axis_name="s")

    def body(x_hbm, wx_hbm, wy_hbm, out_hbm, xv, wxv, wyv, ov, sem):
        wid = lax.axis_index("s") * 2 + lax.axis_index("c")
        base = wid * (ppw * 2)
        c1 = pltpu.make_async_copy(x_hbm.at[pl.ds(base, ppw * 2)], xv, sem)
        c2 = pltpu.make_async_copy(wx_hbm, wxv, sem)
        c3 = pltpu.make_async_copy(wy_hbm, wyv, sem)
        c1.start()
        c2.start()
        c3.start()
        c1.wait()
        c2.wait()
        c3.wait()

        fnx = float(_NX)
        fny = float(_NY)

        @plsc.parallel_loop(0, nsteps, step=1)
        def step(it):
            off0 = it * _L + (it // 8) * 128
            x0 = xv[pl.ds(off0, _L)]
            x1 = xv[pl.ds(off0 + 128, _L)]
            px = x0 * fnx
            py = x1 * fny
            i = px.astype(jnp.int32)
            j = py.astype(jnp.int32)
            fi = i.astype(jnp.float32)
            fj = j.astype(jnp.float32)
            fx = px - fi
            fy = py - fj
            up = fx + fy > 1.0
            s = jnp.where(up, (fi + 1.0) - px, fx)
            t = jnp.where(up, (fj + 1.0) - py, fy)
            w0 = 1.0 - s - t
            v00 = j * (_NX + 1) + i
            d0 = jnp.where(up, v00 + (_NX + 2), v00)
            d1 = jnp.where(up, v00 + (_NX + 1), v00 + 1)
            d2 = jnp.where(up, v00 + 1, v00 + (_NX + 1))
            ox = (w0 * plsc.load_gather(wxv, [d0])
                  + s * plsc.load_gather(wxv, [d1])
                  + t * plsc.load_gather(wxv, [d2]))
            oy = (w0 * plsc.load_gather(wyv, [d0])
                  + s * plsc.load_gather(wyv, [d1])
                  + t * plsc.load_gather(wyv, [d2]))
            ov[pl.ds(off0, _L)] = ox
            ov[pl.ds(off0 + 128, _L)] = oy

        pltpu.sync_copy(ov, out_hbm.at[pl.ds(base, ppw * 2)])

    return pl.kernel(
        body,
        out_type=jax.ShapeDtypeStruct((npts * 2,), jnp.float32),
        mesh=mesh,
        compiler_params=pltpu.CompilerParams(needs_layout_passes=False),
        scratch_types=[
            pltpu.VMEM((ppw * 2,), jnp.float32),
            pltpu.VMEM((_NV,), jnp.float32),
            pltpu.VMEM((_NV,), jnp.float32),
            pltpu.VMEM((ppw * 2,), jnp.float32),
            pltpu.SemaphoreType.DMA,
        ],
    )


def kernel(x, weight_x, weight_y, Minv, A_pts, cell_dofs):
    B, N, _ = x.shape
    xp = x.reshape(B, N // 128, 128, 2).transpose(0, 1, 3, 2).reshape(-1)
    flat = _make_sc_interp(B, N)(xp, weight_x, weight_y)
    return flat.reshape(B, N // 128, 2, 128).transpose(0, 1, 3, 2).reshape(B, N, 2)

# --- scband reference (transcript-rebuilt; emitter-appended) ---
"""Pipeline reference for scband-vector-p1-function-space-24232205484053 (READ-ONLY COPY).

The authoritative reference and input builder live on the scoring server;
editing this copy changes nothing except your own understanding.
"""

import jax, jax.numpy as jnp
import numpy as np

NX = 128
NY = 128

def _build_mesh():
    hx = 1.0 / NX
    hy = 1.0 / NY
    vi = np.arange((NX + 1) * (NY + 1))
    coords = np.stack([(vi % (NX + 1)) * hx, (vi // (NX + 1)) * hy], axis=-1).astype(np.float32)
    jj, ii = np.meshgrid(np.arange(NY), np.arange(NX), indexing='ij')
    v00 = jj * (NX + 1) + ii
    v10 = v00 + 1
    v01 = v00 + (NX + 1)
    v11 = v01 + 1
    lower = np.stack([v00, v10, v01], axis=-1).reshape(-1, 3)
    upper = np.stack([v11, v01, v10], axis=-1).reshape(-1, 3)
    dofs = np.stack([lower, upper], axis=1).reshape(-1, 3).astype(np.int32)
    tri = coords[dofs]
    A = tri[:, 0]
    B = tri[:, 1]
    Cp = tri[:, 2]
    M = np.stack([B - A, Cp - A], axis=-1)
    Minv = np.linalg.inv(M).transpose(0, 2, 1).astype(np.float32)
    return coords, dofs, Minv, A.astype(np.float32)

def setup_inputs(seed: int = 0):
    key = jax.random.key(seed)
    kx, kwx, kwy = jax.random.split(key, 3)
    coords, dofs, Minv, A = _build_mesh()
    n_vertices = coords.shape[0]
    x = jax.random.uniform(kx, (16, 8192, 2), dtype=jnp.float32)
    weight_x = jax.random.normal(kwx, (n_vertices,), dtype=jnp.float32)
    weight_y = jax.random.normal(kwy, (n_vertices,), dtype=jnp.float32)
    return {
        'x': x,
        'weight_x': weight_x,
        'weight_y': weight_y,
        'Minv': jnp.asarray(Minv),
        'A_pts': jnp.asarray(A),
        'cell_dofs': jnp.asarray(dofs),
    }

def _locate_cells(x):
    px = x[..., 0] * NX
    py = x[..., 1] * NY
    i = jnp.clip(jnp.floor(px).astype(jnp.int32), 0, NX - 1)
    j = jnp.clip(jnp.floor(py).astype(jnp.int32), 0, NY - 1)
    fx = px - i.astype(jnp.float32)
    fy = py - j.astype(jnp.float32)
    upper = (fx + fy > 1.0).astype(jnp.int32)
    return 2 * (j * NX + i) + upper

def reference(x, weight_x, weight_y, Minv, A_pts, cell_dofs):
    # P1 (CG1) barycentric interpolation: for each query point, gather the
    # containing triangle's precomputed Minv, anchor vertex A and vertex dofs,
    # compute st = (x - A) @ Minv and interpolate the two weight fields.
    cid = _locate_cells(x)                 # [B, N] cell index per point
    Mg = Minv[cid]                         # [B, N, 2, 2] gather
    Ag = A_pts[cid]                        # [B, N, 2] gather
    dg = cell_dofs[cid]                    # [B, N, 3] gather
    d = x - Ag
    st = jnp.einsum('...m,...mk->...k', d, Mg)
    s = st[..., 0]
    t = st[..., 1]
    w0 = 1.0 - s - t
    cx = weight_x[dg]                      # [B, N, 3] gather from vertex weights
    cy = weight_y[dg]
    out_x = w0 * cx[..., 0] + s * cx[..., 1] + t * cx[..., 2]
    out_y = w0 * cy[..., 0] + s * cy[..., 1] + t * cy[..., 2]
    return jnp.stack([out_x, out_y], axis=2)

if __name__ == "__main__":
    import jax
    _d = setup_inputs()
    print(jax.jit(kernel)(*tuple(_d.values())))

</pallas_src>

<mosaic_0001>
#map = affine_map<(d0, d1) -> (0)>
module attributes {stable_mosaic.version = 14 : i64} {
  func.func @body(%arg0: i32, %arg1: i32, %arg2: memref<262144xf32, #tpu.memory_space<hbm>>, %arg3: memref<16641xf32, #tpu.memory_space<hbm>>, %arg4: memref<16641xf32, #tpu.memory_space<hbm>>, %arg5: memref<262144xf32, #tpu.memory_space<hbm>>, %arg6: memref<8192xf32, #tpu.memory_space<vmem>>, %arg7: memref<16641xf32, #tpu.memory_space<vmem>>, %arg8: memref<16641xf32, #tpu.memory_space<vmem>>, %arg9: memref<8192xf32, #tpu.memory_space<vmem>>, %arg10: memref<!tpu.dma_semaphore, #tpu.memory_space<semaphore_mem>>) attributes {dimension_semantics = [#tpu.dimension_semantics<core_parallel>, #tpu.dimension_semantics<subcore_parallel>], iteration_bounds = array<i64: 2, 16>, scalar_prefetch = 0 : i64, scratch_operands = 5 : i64, tpu.core_type = #tpu.core_type<sc_vector_subcore>, window_params = [{transform_indices = #map}, {transform_indices = #map}, {transform_indices = #map}, {transform_indices = #map}]} {
    %mul3A = arith.constant 2 : i32
    %mul3A_0 = arith.muli %arg1, %mul3A : i32
    %add3A = arith.addi %mul3A_0, %arg0 : i32
    %mul3A_1 = arith.constant 8192 : i32
    %mul3A_2 = arith.muli %add3A, %mul3A_1 : i32
    %dma_start3A = tpu.memref_slice %arg2[%mul3A_2] : memref<262144xf32, #tpu.memory_space<hbm>> -> memref<8192xf32, #tpu.memory_space<hbm>>
    %dma_start3A_3 = tpu.memref_slice %arg2[%mul3A_2] : memref<262144xf32, #tpu.memory_space<hbm>> -> memref<8192xf32, #tpu.memory_space<hbm>>
    tpu.enqueue_dma source(%dma_start3A_3 : memref<8192xf32, #tpu.memory_space<hbm>>) target(%arg6 : memref<8192xf32, #tpu.memory_space<vmem>>) target_semaphore(%arg10 : memref<!tpu.dma_semaphore, #tpu.memory_space<semaphore_mem>>)
    tpu.enqueue_dma source(%arg3 : memref<16641xf32, #tpu.memory_space<hbm>>) target(%arg7 : memref<16641xf32, #tpu.memory_space<vmem>>) target_semaphore(%arg10 : memref<!tpu.dma_semaphore, #tpu.memory_space<semaphore_mem>>)
    tpu.enqueue_dma source(%arg4 : memref<16641xf32, #tpu.memory_space<hbm>>) target(%arg8 : memref<16641xf32, #tpu.memory_space<vmem>>) target_semaphore(%arg10 : memref<!tpu.dma_semaphore, #tpu.memory_space<semaphore_mem>>)
    %dma_wait3A = tpu.memref_slice %arg2[%mul3A_2] : memref<262144xf32, #tpu.memory_space<hbm>> -> memref<8192xf32, #tpu.memory_space<hbm>>
    %dma_wait3A_4 = tpu.memref_slice %arg2[%mul3A_2] : memref<262144xf32, #tpu.memory_space<hbm>> -> memref<8192xf32, #tpu.memory_space<hbm>>
    tpu.wait_dma2 semaphore(%arg10 : memref<!tpu.dma_semaphore, #tpu.memory_space<semaphore_mem>>) src(%dma_wait3A_4 : memref<8192xf32, #tpu.memory_space<hbm>>) dst(%arg6 : memref<8192xf32, #tpu.memory_space<vmem>>)
    tpu.wait_dma2 semaphore(%arg10 : memref<!tpu.dma_semaphore, #tpu.memory_space<semaphore_mem>>) src(%arg3 : memref<16641xf32, #tpu.memory_space<hbm>>) dst(%arg7 : memref<16641xf32, #tpu.memory_space<vmem>>)
    tpu.wait_dma2 semaphore(%arg10 : memref<!tpu.dma_semaphore, #tpu.memory_space<semaphore_mem>>) src(%arg4 : memref<16641xf32, #tpu.memory_space<hbm>>) dst(%arg8 : memref<16641xf32, #tpu.memory_space<vmem>>)
    %parallel_loop3A = arith.constant 0 : i32
    %parallel_loop3A_5 = arith.constant 256 : i32
    %parallel_loop3A_6 = arith.constant 1 : i32
    scf.for %parallel_loop3A_7 = %parallel_loop3A to %parallel_loop3A_5 step %parallel_loop3A_6  : i32 {
      %parallel_loop3A_8 = arith.constant 16 : i32
      %parallel_loop3A_9 = arith.muli %parallel_loop3A_7, %parallel_loop3A_8 : i32
      %parallel_loop3A_10 = arith.constant 8 : i32
      %parallel_loop3A_11 = arith.divsi %parallel_loop3A_7, %parallel_loop3A_10 : i32
      %parallel_loop3A_12 = arith.constant 0 : i32
      %parallel_loop3A_13 = arith.cmpi sgt, %parallel_loop3A_7, %parallel_loop3A_12 : i32
      %parallel_loop3A_14 = arith.extui %parallel_loop3A_13 : i1 to i32
      %parallel_loop3A_15 = arith.constant 0 : i32
      %parallel_loop3A_16 = arith.cmpi slt, %parallel_loop3A_7, %parallel_loop3A_15 : i32
      %parallel_loop3A_17 = arith.extui %parallel_loop3A_16 : i1 to i32
      %parallel_loop3A_18 = arith.subi %parallel_loop3A_14, %parallel_loop3A_17 : i32
      %parallel_loop3A_19 = arith.constant 0 : i32
      %parallel_loop3A_20 = arith.cmpi sgt, %parallel_loop3A_10, %parallel_loop3A_19 : i32
      %parallel_loop3A_21 = arith.extui %parallel_loop3A_20 : i1 to i32
      %parallel_loop3A_22 = arith.constant 0 : i32
      %parallel_loop3A_23 = arith.cmpi slt, %parallel_loop3A_10, %parallel_loop3A_22 : i32
      %parallel_loop3A_24 = arith.extui %parallel_loop3A_23 : i1 to i32
      %parallel_loop3A_25 = arith.subi %parallel_loop3A_21, %parallel_loop3A_24 : i32
      %parallel_loop3A_26 = arith.cmpi ne, %parallel_loop3A_18, %parallel_loop3A_25 : i32
      %parallel_loop3A_27 = arith.remsi %parallel_loop3A_7, %parallel_loop3A_10 : i32
      %parallel_loop3A_28 = arith.constant 0 : i32
      %parallel_loop3A_29 = arith.cmpi ne, %parallel_loop3A_27, %parallel_loop3A_28 : i32
      %parallel_loop3A_30 = arith.andi %parallel_loop3A_26, %parallel_loop3A_29 : i1
      %parallel_loop3A_31 = arith.constant 1 : i32
      %parallel_loop3A_32 = arith.subi %parallel_loop3A_11, %parallel_loop3A_31 : i32
      %parallel_loop3A_33 = arith.select %parallel_loop3A_30, %parallel_loop3A_32, %parallel_loop3A_11 : i32
      %parallel_loop3A_34 = arith.constant 128 : i32
      %parallel_loop3A_35 = arith.muli %parallel_loop3A_33, %parallel_loop3A_34 : i32
      %parallel_loop3A_36 = arith.addi %parallel_loop3A_9, %parallel_loop3A_35 : i32
      %parallel_loop3A_37 = arith.index_cast %parallel_loop3A_36 : i32 to index
      %parallel_loop3A_38 = tpu.vector_load %arg6[%parallel_loop3A_37] {strides = array<i32>} : memref<8192xf32, #tpu.memory_space<vmem>>, vector<16xf32>,
      %parallel_loop3A_39 = arith.constant 128 : i32
      %parallel_loop3A_40 = arith.addi %parallel_loop3A_36, %parallel_loop3A_39 : i32
      %parallel_loop3A_41 = arith.index_cast %parallel_loop3A_40 : i32 to index
      %parallel_loop3A_42 = tpu.vector_load %arg6[%parallel_loop3A_41] {strides = array<i32>} : memref<8192xf32, #tpu.memory_space<vmem>>, vector<16xf32>,
      %parallel_loop3A_43 = arith.constant 1.280000e+02 : f32
      %parallel_loop3A_44 = vector.broadcast %parallel_loop3A_43 : f32 to vector<16xf32>
      %parallel_loop3A_45 = arith.mulf %parallel_loop3A_38, %parallel_loop3A_44 : vector<16xf32>
      %parallel_loop3A_46 = arith.constant 1.280000e+02 : f32
      %parallel_loop3A_47 = vector.broadcast %parallel_loop3A_46 : f32 to vector<16xf32>
      %parallel_loop3A_48 = arith.mulf %parallel_loop3A_42, %parallel_loop3A_47 : vector<16xf32>
      %parallel_loop3A_49 = arith.fptosi %parallel_loop3A_45 : vector<16xf32> to vector<16xi32>
      %parallel_loop3A_50 = arith.fptosi %parallel_loop3A_48 : vector<16xf32> to vector<16xi32>
      %parallel_loop3A_51 = arith.sitofp %parallel_loop3A_49 : vector<16xi32> to vector<16xf32>
      %parallel_loop3A_52 = arith.sitofp %parallel_loop3A_50 : vector<16xi32> to vector<16xf32>
      %parallel_loop3A_53 = arith.subf %parallel_loop3A_45, %parallel_loop3A_51 : vector<16xf32>
      %parallel_loop3A_54 = arith.subf %parallel_loop3A_48, %parallel_loop3A_52 : vector<16xf32>
      %parallel_loop3A_55 = arith.addf %parallel_loop3A_53, %parallel_loop3A_54 : vector<16xf32>
      %parallel_loop3A_56 = arith.constant 1.000000e+00 : f32
      %parallel_loop3A_57 = vector.broadcast %parallel_loop3A_56 : f32 to vector<16xf32>
      %parallel_loop3A_58 = arith.cmpf ogt, %parallel_loop3A_55, %parallel_loop3A_57 : vector<16xf32>
      %parallel_loop3A_59 = arith.constant 1.000000e+00 : f32
      %parallel_loop3A_60 = vector.broadcast %parallel_loop3A_59 : f32 to vector<16xf32>
      %parallel_loop3A_61 = arith.addf %parallel_loop3A_51, %parallel_loop3A_60 : vector<16xf32>
      %parallel_loop3A_62 = arith.subf %parallel_loop3A_61, %parallel_loop3A_45 : vector<16xf32>
      %parallel_loop3A_63 = arith.select %parallel_loop3A_58, %parallel_loop3A_62, %parallel_loop3A_53 : vector<16xi1>, vector<16xf32>
      %parallel_loop3A_64 = arith.constant 1.000000e+00 : f32
      %parallel_loop3A_65 = vector.broadcast %parallel_loop3A_64 : f32 to vector<16xf32>
      %parallel_loop3A_66 = arith.addf %parallel_loop3A_52, %parallel_loop3A_65 : vector<16xf32>
      %parallel_loop3A_67 = arith.subf %parallel_loop3A_66, %parallel_loop3A_48 : vector<16xf32>
      %parallel_loop3A_68 = arith.select %parallel_loop3A_58, %parallel_loop3A_67, %parallel_loop3A_54 : vector<16xi1>, vector<16xf32>
      %parallel_loop3A_69 = arith.constant 1.000000e+00 : f32
      %parallel_loop3A_70 = vector.broadcast %parallel_loop3A_69 : f32 to vector<16xf32>
      %parallel_loop3A_71 = arith.subf %parallel_loop3A_70, %parallel_loop3A_63 : vector<16xf32>
      %parallel_loop3A_72 = arith.subf %parallel_loop3A_71, %parallel_loop3A_68 : vector<16xf32>
      %parallel_loop3A_73 = arith.constant 129 : i32
      %parallel_loop3A_74 = vector.broadcast %parallel_loop3A_73 : i32 to vector<16xi32>
      %parallel_loop3A_75 = arith.muli %parallel_loop3A_50, %parallel_loop3A_74 : vector<16xi32>
      %parallel_loop3A_76 = arith.addi %parallel_loop3A_75, %parallel_loop3A_49 : vector<16xi32>
      %parallel_loop3A_77 = arith.constant 130 : i32
      %parallel_loop3A_78 = vector.broadcast %parallel_loop3A_77 : i32 to vector<16xi32>
      %parallel_loop3A_79 = arith.addi %parallel_loop3A_76, %parallel_loop3A_78 : vector<16xi32>
      %parallel_loop3A_80 = arith.select %parallel_loop3A_58, %parallel_loop3A_79, %parallel_loop3A_76 : vector<16xi1>, vector<16xi32>
      %parallel_loop3A_81 = arith.constant 129 : i32
      %parallel_loop3A_82 = vector.broadcast %parallel_loop3A_81 : i32 to vector<16xi32>
      %parallel_loop3A_83 = arith.addi %parallel_loop3A_76, %parallel_loop3A_82 : vector<16xi32>
      %parallel_loop3A_84 = arith.constant 1 : i32
      %parallel_loop3A_85 = vector.broadcast %parallel_loop3A_84 : i32 to vector<16xi32>
      %parallel_loop3A_86 = arith.addi %parallel_loop3A_76, %parallel_loop3A_85 : vector<16xi32>
      %parallel_loop3A_87 = arith.select %parallel_loop3A_58, %parallel_loop3A_83, %parallel_loop3A_86 : vector<16xi1>, vector<16xi32>
      %parallel_loop3A_88 = arith.constant 1 : i32
      %parallel_loop3A_89 = vector.broadcast %parallel_loop3A_88 : i32 to vector<16xi32>
      %parallel_loop3A_90 = arith.addi %parallel_loop3A_76, %parallel_loop3A_89 : vector<16xi32>
      %parallel_loop3A_91 = arith.constant 129 : i32
      %parallel_loop3A_92 = vector.broadcast %parallel_loop3A_91 : i32 to vector<16xi32>
      %parallel_loop3A_93 = arith.addi %parallel_loop3A_76, %parallel_loop3A_92 : vector<16xi32>
      %parallel_loop3A_94 = arith.select %parallel_loop3A_58, %parallel_loop3A_90, %parallel_loop3A_93 : vector<16xi1>, vector<16xi32>
      %parallel_loop3A_95 = tpu.vector_load_idx %arg7[%parallel_loop3A_80] : memref<16641xf32, #tpu.memory_space<vmem>>[vector<16xi32>], vector<16xf32>,
      %parallel_loop3A_96 = arith.mulf %parallel_loop3A_72, %parallel_loop3A_95 : vector<16xf32>
      %parallel_loop3A_97 = tpu.vector_load_idx %arg7[%parallel_loop3A_87] : memref<16641xf32, #tpu.memory_space<vmem>>[vector<16xi32>], vector<16xf32>,
      %parallel_loop3A_98 = arith.mulf %parallel_loop3A_63, %parallel_loop3A_97 : vector<16xf32>
      %parallel_loop3A_99 = arith.addf %parallel_loop3A_96, %parallel_loop3A_98 : vector<16xf32>
      %parallel_loop3A_100 = tpu.vector_load_idx %arg7[%parallel_loop3A_94] : memref<16641xf32, #tpu.memory_space<vmem>>[vector<16xi32>], vector<16xf32>,
      %parallel_loop3A_101 = arith.mulf %parallel_loop3A_68, %parallel_loop3A_100 : vector<16xf32>
      %parallel_loop3A_102 = arith.addf %parallel_loop3A_99, %parallel_loop3A_101 : vector<16xf32>
      %parallel_loop3A_103 = tpu.vector_load_idx %arg8[%parallel_loop3A_80] : memref<16641xf32, #tpu.memory_space<vmem>>[vector<16xi32>], vector<16xf32>,
      %parallel_loop3A_104 = arith.mulf %parallel_loop3A_72, %parallel_loop3A_103 : vector<16xf32>
      %parallel_loop3A_105 = tpu.vector_load_idx %arg8[%parallel_loop3A_87] : memref<16641xf32, #tpu.memory_space<vmem>>[vector<16xi32>], vector<16xf32>,
      %parallel_loop3A_106 = arith.mulf %parallel_loop3A_63, %parallel_loop3A_105 : vector<16xf32>
      %parallel_loop3A_107 = arith.addf %parallel_loop3A_104, %parallel_loop3A_106 : vector<16xf32>
      %parallel_loop3A_108 = tpu.vector_load_idx %arg8[%parallel_loop3A_94] : memref<16641xf32, #tpu.memory_space<vmem>>[vector<16xi32>], vector<16xf32>,
      %parallel_loop3A_109 = arith.mulf %parallel_loop3A_68, %parallel_loop3A_108 : vector<16xf32>
      %parallel_loop3A_110 = arith.addf %parallel_loop3A_107, %parallel_loop3A_109 : vector<16xf32>
      %parallel_loop3A_111 = arith.index_cast %parallel_loop3A_36 : i32 to index
      %parallel_loop3A_112 = tpu.vector_load %arg9[%parallel_loop3A_111] {strides = array<i32>} : memref<8192xf32, #tpu.memory_space<vmem>>, vector<16xf32>,
      tpu.vector_store %arg9[%parallel_loop3A_111], %parallel_loop3A_102 {strides = array<i32>} : memref<8192xf32, #tpu.memory_space<vmem>>, vector<16xf32>,
      %parallel_loop3A_113 = arith.constant 128 : i32
      %parallel_loop3A_114 = arith.addi %parallel_loop3A_36, %parallel_loop3A_113 : i32
      %parallel_loop3A_115 = arith.index_cast %parallel_loop3A_114 : i32 to index
      %parallel_loop3A_116 = tpu.vector_load %arg9[%parallel_loop3A_115] {strides = array<i32>} : memref<8192xf32, #tpu.memory_space<vmem>>, vector<16xf32>,
      tpu.vector_store %arg9[%parallel_loop3A_115], %parallel_loop3A_110 {strides = array<i32>} : memref<8192xf32, #tpu.memory_space<vmem>>, vector<16xf32>,
    } {sc.loop_unroll_factor = 1 : i64, sc.parallel_access}
    "tpu.region"() ({
      %run_scoped3A = tpu.sem_alloc : memref<!tpu.dma_semaphore, #tpu.memory_space<semaphore_mem>>
      %dma_start3A_7 = tpu.memref_slice %arg5[%mul3A_2] : memref<262144xf32, #tpu.memory_space<hbm>> -> memref<8192xf32, #tpu.memory_space<hbm>>
      %dma_start3A_8 = tpu.memref_slice %arg5[%mul3A_2] : memref<262144xf32, #tpu.memory_space<hbm>> -> memref<8192xf32, #tpu.memory_space<hbm>>
      tpu.enqueue_dma source(%arg9 : memref<8192xf32, #tpu.memory_space<vmem>>) target(%dma_start3A_8 : memref<8192xf32, #tpu.memory_space<hbm>>) target_semaphore(%run_scoped3A : memref<!tpu.dma_semaphore, #tpu.memory_space<semaphore_mem>>)
      %dma_wait3A_9 = tpu.memref_slice %arg5[%mul3A_2] : memref<262144xf32, #tpu.memory_space<hbm>> -> memref<8192xf32, #tpu.memory_space<hbm>>
      %dma_wait3A_10 = tpu.memref_slice %arg5[%mul3A_2] : memref<262144xf32, #tpu.memory_space<hbm>> -> memref<8192xf32, #tpu.memory_space<hbm>>
      tpu.wait_dma2 semaphore(%run_scoped3A : memref<!tpu.dma_semaphore, #tpu.memory_space<semaphore_mem>>) src(%arg9 : memref<8192xf32, #tpu.memory_space<vmem>>) dst(%dma_wait3A_10 : memref<8192xf32, #tpu.memory_space<hbm>>)
      tpu.yield
    }) : () -> ()
    return
  }
}

</mosaic_0001>

<sc_bundles>
// kernel: kernel.3.cloned.1.call-start
scs
__scs_entry_jumppad:
0x0: {  	(pc) =	sbr.rel $0x88, $3  }
0x1: {  	(tag) =	ssettag $0x0;
	lr =	simm.s32 $0x1  }
0x2: {  	[smem:$0x3F9E] =	sst lr;
	_ =	strace $0xD0000000  }
0x3: {  	_ = 	snop  }
0x4: {  	_ = 	snop  }
0x5: {  	_ = 	snop  }
0x6: {  	_ = 	snop  }
0x7: {  	_ = 	snop  }
__scs_overlays_trampoline_lowered:
0x8: {  	[smem:$0x3FAD] =	sst s0  }
0x9: {  	[smem:$0x3FAE] =	sst s1  }
0xa: {  	[smem:$0x3FAF] =	sst s2  }
0xb: {  	[smem:$0x3FB0] =	sst s3  }
0xc: {  	[smem:$0x3FB1] =	sst s4  }
0xd: {  	[smem:$0x3FB2] =	sst s5  }
0xe: {  	[smem:$0x3FB3] =	sst s6  }
0xf: {  	[smem:$0x3FB4] =	sst s7  }
0x10: {  	[smem:$0x3FB5] =	sst s8  }
0x11: {  	[smem:$0x3FB6] =	sst s9;
	s0 =	simm.s32 @!p0 $0x0  }
0x12: {  	s1 =	sld [smem:$0x3F9C];
	s0 =	simm.s32 @p0 $0x1  }
0x13: {  	[smem:$0x3FB7] =	sst s0;
	s0 =	simm.s32 @!p1 $0x0  }
0x14: {  	s2 =	sld [smem:$0x3F9B];
	s0 =	simm.s32 @p1 $0x1  }
0x15: {  	[smem:$0x3FB8] =	sst s0;
	s0 =	simm.s32 @!p2 $0x0  }
0x16: {  	s3 =	sld [smem:$0x3FDB];
	s0 =	simm.s32 @p2 $0x1  }
0x17: {  	s4 =	simm.s32 $0x1BF5;
	[smem:$0x3FBA] =	sst s0  }
0x18: {  	s0 =	sld [smem:$0x3F9D];
	_ =	swait.ge [sflag:s4], $0x0  }
0x19: {  	s7 =	sld [smem:$0x3F9E]  }
0x1a: {  	s8 =	sadd.s32 $0xFFFFE003, lr  }
0x1b: {  	s9 =	sadd.s32 $0xFFFFFEF7, lr;
	s5 =	simm.s32 $0xFFFFFFFF;
	p2 =	slt.u32 s8, $0xFFFFF086  }
0x1c: {  	p1 =	slt.u32 s9, $0xF7A;
	s5 =	simm.s32 @!p2 $0x0  }
0x1d: {  	s5 =	simm.s32 @p1 $0x1;
	p0 =	seq.s32 s7, s2  }
0x1e: {  	s7 =	smul.u32 @!p0 $0xF7A, s2;
	p2 =	seq.s32 @!p0 s5, $0x0  }
0x1f: {  	s9 =	smul.u32 $0xF7A, s1;
	s8 =	simm.s32 @!p0 $0x1BF5;
	p2 =	por !p2, p0  }
0x20: {  	[sflag:s8] =	ssyncset.s32 @!p0 $0xFFFFF086;
	s6 =	sadd.s32 @!p0 s3, s7;
	s7 =	simm.s32 @!p0 $0x108  }
0x21: {  	s3 =	sadd.s32 s3, s9;
	s6 =	sadd.s32 @!p0 $0x88, s6;
	s7 =	simm.s32 @p2 $0x1082  }
0x22: {  	[simem:s7], [sflag:s8] =	dma.local @!p0 [hbm:s6], $0xF7A  }
0x23: {  	s9 =	sor.u32 $0xD0000000, s2;
	s6 =	simm.s32 $0x108;
	_ =	swait.ge @!p0 [sflag:s8], $0x0  }
0x24: {  	s3 =	sadd.s32 $0x88, s3;
	s6 =	simm.s32 @!p1 $0x1082;
	[sflag:s4] =	ssyncset.s32 $0xFFFFF086  }
0x25: {  	[simem:s6], [sflag:s4] =	dma.local [hbm:s3], $0xF7A  }
0x26: {  	[smem:$0x3F9E] =	sst s1;
	(tag) =	ssettag s2;
	_ =	strace s9  }
0x27: {  	s1 =	sld [smem:$0x3FAE]  }
0x28: {  	s2 =	sld [smem:$0x3FAF]  }
0x29: {  	s4 =	sld [smem:$0x3FB1]  }
0x2a: {  	p0 =	seq.s32 s5, $0x0;
	s5 =	sld [smem:$0x3FB2]  }
0x2b: {  	s6 =	sld [smem:$0x3FB3]  }
0x2c: {  	s7 =	sld [smem:$0x3FB4]  }
0x2d: {  	s3 =	simm.s32 $0x108;
	s8 =	sld [smem:$0x3FB5]  }
0x2e: {  	s3 =	simm.s32 @!p0 $0x1082;
	s9 =	sld [smem:$0x3FB6]  }
0x2f: {  	lr =	sadd.s32 s0, s3;
	s0 =	sld [smem:$0x3FAD]  }
0x30: {  	s3 =	sld [smem:$0x3FB0]  }
0x31: {  	[smem:$0x3FB9] =	sst s10  }
0x32: {  	s10 =	sld [smem:$0x3FB7];
	_ =	sdelay $0x3  }
0x33: {  	p0 =	seq.s32 s10, $0x1;
	s10 =	sld [smem:$0x3FB9];
	_ =	sdelay $0x3  }
0x34: {  	[smem:$0x3FB9] =	sst s10  }
0x35: {  	s10 =	sld [smem:$0x3FB8];
	_ =	sdelay $0x3  }
0x36: {  	p1 =	seq.s32 s10, $0x1;
	s10 =	sld [smem:$0x3FB9];
	_ =	sdelay $0x3  }
0x37: {  	[smem:$0x3FB9] =	sst s10  }
0x38: {  	s10 =	sld [smem:$0x3FBA]  }
0x39: {  	_ = 	snop;
	(pc) =	sbr.ind lr, $3  }
0x3a: {  	_ = 	snop  }
0x3b: {  	_ = 	snop  }
0x3c: {  	p2 =	seq.s32 s10, $0x1;
	s10 =	sld [smem:$0x3FB9]  }
0x3d: {  	_ =	shalt  }
0x3e: {  	_ =	shalt  }
0x3f: {  	_ =	shalt  }
0x40: {  	_ =	shalt  }
0x41: {  	_ =	shalt  }
0x42: {  	_ =	shalt  }
0x43: {  	_ =	shalt  }
0x44: {  	_ =	shalt  }
0x45: {  	_ =	shalt  }
0x46: {  	_ =	shalt  }
0x47: {  	_ =	shalt  }
0x48: {  	_ =	shalt  }
0x49: {  	_ =	shalt  }
0x4a: {  	_ =	shalt  }
0x4b: {  	_ =	shalt  }
0x4c: {  	_ =	shalt  }
0x4d: {  	_ =	shalt  }
0x4e: {  	_ =	shalt  }
0x4f: {  	_ =	shalt  }
0x50: {  	_ =	shalt  }
0x51: {  	_ =	shalt  }
0x52: {  	_ =	shalt  }
0x53: {  	_ =	shalt  }
0x54: {  	_ =	shalt  }
0x55: {  	_ =	shalt  }
0x56: {  	_ =	shalt  }
0x57: {  	_ =	shalt  }
0x58: {  	_ =	shalt  }
0x59: {  	_ =	shalt  }
0x5a: {  	_ =	shalt  }
0x5b: {  	_ =	shalt  }
0x5c: {  	_ =	shalt  }
0x5d: {  	_ =	shalt  }
0x5e: {  	_ =	shalt  }
0x5f: {  	_ =	shalt  }
0x60: {  	_ =	shalt  }
0x61: {  	_ =	shalt  }
0x62: {  	_ =	shalt  }
0x63: {  	_ =	shalt  }
0x64: {  	_ =	shalt  }
0x65: {  	_ =	shalt  }
0x66: {  	_ =	shalt  }
0x67: {  	_ =	shalt  }
0x68: {  	_ =	shalt  }
0x69: {  	_ =	shalt  }
0x6a: {  	_ =	shalt  }
0x6b: {  	_ =	shalt  }
0x6c: {  	_ =	shalt  }
0x6d: {  	_ =	shalt  }
0x6e: {  	_ =	shalt  }
0x6f: {  	_ =	shalt  }
0x70: {  	_ =	shalt  }
0x71: {  	_ =	shalt  }
0x72: {  	_ =	shalt  }
0x73: {  	_ =	shalt  }
0x74: {  	_ =	shalt  }
0x75: {  	_ =	shalt  }
0x76: {  	_ =	shalt  }
0x77: {  	_ =	shalt  }
0x78: {  	_ =	shalt  }
0x79: {  	_ =	shalt  }
0x7a: {  	_ =	shalt  }
0x7b: {  	_ =	shalt  }
0x7c: {  	_ =	shalt  }
0x7d: {  	_ =	shalt  }
0x7e: {  	_ =	shalt  }
0x7f: {  	_ =	shalt  }
0x80: {  	_ =	shalt  }
0x81: {  	_ =	shalt  }
0x82: {  	_ =	shalt  }
0x83: {  	_ =	shalt  }
0x84: {  	_ =	shalt  }
0x85: {  	_ =	shalt  }
0x86: {  	_ =	shalt  }
0x87: {  	_ =	shalt  }
.Lfunc_end0:
.L_simem_size_0:
called_computation_lowered:
.L_overlay_start_0:
0x88: {  	s2 =	sld [smem:$0x3FD9]  }
0x89: {  	s3 =	sld [smem:$0x3FFE];
	_ =	sdelay $0x1  }
0x8a: {  	s1 =	srdreg.scid  }
0x8b: {  	s0 =	sand.u32 $0x1, s1  }
0x8c: {  	s18 =	sshll.u32 s0, $0xA;
	s2 =	sadd.s32 s3, s2  }
0x8d: {  	s2 =	sadd.s32 s2, s18  }
0x8e: {  	[smem:$0x3FC5] =	sst s2  }
0x8f: {  	_ = 	snop  }
0x90: {  	s2 =	sld [smem:$0x3FC9]  }
0x91: {  	s19 =	sld [smem:$0x3FC8]  }
0x92: {  	s4 =	sld [smem:$0x3FC7]  }
0x93: {  	s5 =	sld [smem:$0x3FD0];
	(tm) =	ssettm $0x1  }
0x94: {  	s6 =	sld [smem:$0x3FFB];
	_ =	sdelay $0x3  }
0x95: {  	_ =	strace s6  }
0x96: {  	s6 =	sld [smem:$0x3FFC];
	_ =	sdelay $0x3  }
0x97: {  	_ =	strace s6  }
0x98: {  	s6 =	sld [smem:$0x3FFD];
	_ =	sdelay $0x3  }
0x99: {  	_ =	strace s6  }
0x9a: {  	_ =	strace $0x8FFFFFFF  }
0x9b: {  	s20 =	sld [smem:$0x3FDB];
	_ =	sdelay $0x1  }
0x9c: {  	s7 =	simm.s32 $_scs_section_size  }
0x9d: {  	s8 =	simm.s32 $_size__tile_overlayer_lowered;
	s9 =	simm.s32 $_tile_overlayer_lowered  }
0x9e: {  	s23 =	simm.s32 $0x1BFF;
	s22 =	sshll.u32 s9, $0x1;
	s6 =	sadd.s32 s7, s20  }
0x9f: {  	s10 =	simm.s32 $0x0;
	s21 =	sshll.u32 s8, $0x1;
	s8 =	sadd.s32 s22, s6  }
0xa0: {  	[timem:s10], [sflag:s23] =	dma.local [hbm:s8], s21  }
0xa1: {  	_ =	swait.ge [sflag:s23], s21  }
0xa2: {  	s7 =	ssub.s32 $0x0, s21;
	[sflag:s23] =	ssyncset.done $0x0  }
0xa3: {  	[sflag:s23] =	ssyncadd.s32 s7;
	_ =	sdelay $0x1  }
0xa4: {  	s24 =	simm.s32 $0x1B8B  }
0xa5: {  	_ =	swait.ge [sflag:s24], $0x1  }
0xa6: {  	[sflag:s24] =	ssyncset.done $0x0  }
0xa7: {  	s25 =	simm.s32 $0x1B8E;
	[sflag:s24] =	ssyncadd.s32 $0xFFFFFFFF  }
0xa8: {  	s26 =	simm.s32 $execute0_lowered;
	[smem:$0x3FD2] =	sst s25  }
0xa9: {  	s7 =	sshll.u32 s26, $0x1;
	_ =	strace $0x80000046;
	[dreg:$0x1] =	wrdreg $0xFFFFFFFF  }
0xaa: {  	s28 =	simm.s32 $_size_execute0_lowered;
	s6 =	sadd.s32 s6, s7;
	[dreg:$0x0] =	wrdreg $0x0  }
0xab: {  	s7 =	sshll.u32 s28, $0x1;
	[dreg:$0x2] =	wrdreg s6  }
0xac: {  	[dreg:$0x3] =	wrdreg s7  }
0xad: {  	[dreg:$0x4] =	wrdreg $0xC0  }
0xae: {  	_ =	task [dreg:s10], $0x5FFFF  }
0xaf: {  	[dreg:$0x1] =	wrdreg $0xFFFFFFFF  }
0xb0: {  	[dreg:$0x0] =	wrdreg $0x60  }
0xb1: {  	[dreg:$0x2] =	wrdreg s2  }
0xb2: {  	[dreg:$0x3] =	wrdreg s19  }
0xb3: {  	[dreg:$0x4] =	wrdreg s4  }
0xb4: {  	[dreg:$0x5] =	wrdreg s5  }
0xb5: {  	[dreg:$0x6] =	wrdreg $0x9  }
0xb6: {  	_ =	task.clear_ibuf [dreg:s10], $0x7FFFF;
	_ =	strace $0x90000046  }
0xb7: {  	s29 =	simm.s32 $0x9;
	_ =	strace $0x80000048  }
0xb8: {  	_ =	swait.ge [sflag:s29], $0x1  }
0xb9: {  	[sflag:s29] =	ssyncadd.s32 $0xFFFFFFFF  }
0xba: {  	_ =	strace $0x90000048  }
0xbb: {  	_ =	sfence  }
0xbc: {  	s30 =	sld [smem:$0x0];
	_ =	sdelay $0x2  }
0xbd: {  	s31 =	sshll.u32 s1, $0xD;
	s1 =	sshrl.u32 s1, $0x2  }
0xbe: {  	s3 =	sand.u32 $0x4000, s31;
	s1 =	sadd.s32 s1, s30  }
0xbf: {  	s0 =	sor.u32 s3, s0;
	s1 =	sshll.u32 s1, $0x11  }
0xc0: {  	s0 =	sor.u32 s1, s0  }
0xc1: {  	s0 =	sadd.s32 $0x8F2B, s0  }
0xc2: {  	[sflag:s0] =	ssyncadd.remote.s32 $0x1  }
0xc3: {  	_ =	sfence.sel $0xFFFF  }
0xc4: {  	[dreg:$0x0] =	wrdreg $0xFFFFFFFF;
	(pc) =	sbr.abs _section_cstart, $3  }
0xc5: {  	[dreg:$0x1] =	wrdreg $0xFFFFFFFF  }
0xc6: {  	_ =	task.clear_ibuf [dreg:s10], $0x2FFFF;
	_ =	strace $0x9FFFFFFF  }
0xc7: {  	(tm) =	ssettm $0x7FFFFFFF  }
tec
execute0_lowered:
.L_overlay_start_1:
0x0: {  	(tag) =	ssettag $0x1  }
0x1: {  	s5 =	rddreg [dreg:$0x0]  }
0x2: {  	s1 =	rddreg [dreg:$0x1]  }
0x3: {  	s2 =	rddreg [dreg:$0x2]  }
0x4: {  	s6 =	rddreg [dreg:$0x3];
	s3 =	srdreg.scid  }
0x5: {  	s0 =	rddreg [dreg:$0x4];
	s4 =	simm.s32 $0x0;
	s11 =	simm.s32 $0xA300  }
0x6: {  	s12 =	simm.s32 $0x2;
	s13 =	simm.s32 $0x0;
	s7 =	sand.u32 $0x1, s3  }
0x7: {  	[smem:$0x7FF] =	sst s4;
	s3 =	stileid.u32;
	s8 =	ssub.s32 $0x2, s7  }
0x8: {  	s10 =	sshll.u32 s3, $0xB;
	s7 =	sshll.u32 s7, $0xA;
	_ =	strace $0x80000047  }
0x9: {  	s9 =	sshrl.u32 s8, $0x1;
	s7 =	sor.u32 s7, s10;
	s10 =	simm.s32 $0x1  }
0xa: {  	s8 =	ssub.s32 s8, s9;
	s5 =	sadd.s32 s5, s7;
	s6 =	sadd.s32 s6, s7  }
0xb: {  	s9 =	simm.s32 $0x6180;
	s7 =	smax.u32 s8, $0x1;
	s8 =	simm.s32 $0x2000  }
.LBB2_1:
0xc: {  	[tilespmem:s4], [sflag:$0x1] =	stream.linear.gather [hbm4b:s5+s4], $0x2000, $0x38;
	[tilespmem:$0xC300] =	vst v63  }
0xd: {  	_ = 	snop  }
0xe: {  	[tilespmem:s8], [sflag:$0x1] =	stream.linear.gather [hbm4b:s1+s4], $0x4180, $0x38;
	[tilespmem:$0xC300] =	vst v63  }
0xf: {  	_ = 	snop  }
0x10: {  	[tilespmem:s9], [sflag:$0x1] =	stream.linear.gather [hbm4b:s2+s4], $0x4180, $0x38;
	[tilespmem:$0xC300] =	vst v63  }
0x11: {  	_ =	swait.ge [sflag:s10], $0x2000  }
0x12: {  	[sflag:s10] =	ssyncset.done $0x0  }
0x13: {  	[sflag:s10] =	ssyncadd.s32 $0xFFFFE000  }
0x14: {  	_ =	swait.ge [sflag:s10], $0x4180  }
0x15: {  	[sflag:s10] =	ssyncset.done $0x0  }
0x16: {  	s14 =	sand.u32 $0x1F80, s4;
	[sflag:s10] =	ssyncadd.s32 $0xFFFFBE80  }
0x17: {  	s14 =	sadd.s32 $0x0, s14;
	_ =	swait.ge [sflag:s10], $0x4180  }
0x18: {  	s15 =	sand.u32 $0x70, s4;
	s14 =	sand.u32 $0x1F80, s14;
	[sflag:s10] =	ssyncset.done $0x0  }
0x19: {  	s14 =	sor.u32 s15, s14;
	[sflag:s10] =	ssyncadd.s32 $0xFFFFBE80  }
0x1a: {  	v0 =	vld [tilespmem:s14+$0x0]  }
0x1b: {  	v1 =	vld [tilespmem:s14+$0x80];
	_ =	sdelay $0x1  }
0x1c: {  	s28 =	simm.s32 $0x10  }
0x1d: {  	s29 =	simm.s32 $0x20;
	s16 =	sand.u32 $0x1F80, s28  }
0x1e: {  	s17 =	sand.u32 $0x1F80, s29;
	s16 =	sadd.s32 $0x10, s16  }
0x1f: {  	s17 =	sadd.s32 $0x20, s17;
	s16 =	sand.u32 $0x1F80, s16;
	s15 =	sand.u32 $0x70, s28;
	v0 =	vmul.f32 $1.280000000e+02, v0;
	v1 =	vmul.f32 $1.280000000e+02, v1  }
0x20: {  	s17 =	sand.u32 $0x1F80, s17;
	s15 =	sor.u32 s15, s16;
	s16 =	sand.u32 $0x70, s29  }
0x21: {  	s16 =	sor.u32 s16, s17;
	v7 =	vld [tilespmem:s15+$0x80];
	v2 =	vtrunc.f32 v0;
	v3 =	vtrunc.f32 v1  }
0x22: {  	v15 =	vld [tilespmem:s16+$0x0];
	v2 =	vcvt.f32.s32 v2;
	v3 =	vcvt.f32.s32 v3  }
0x23: {  	v4 =	vld [tilespmem:s15+$0x0]  }
0x24: {  	v5 =	vcvt.s32.f32 v2;
	v6 =	vcvt.s32.f32 v3;
	_ =	sdelay $0x1  }
0x25: {  	v8 =	vsub.f32 v0, v5;
	v9 =	vsub.f32 v1, v6  }
0x26: {  	v7 =	vmul.f32 $1.280000000e+02, v7;
	v15 =	vmul.f32 $1.280000000e+02, v15;
	v3 =	vmul.u32 $0x81, v3  }
0x27: {  	v4 =	vmul.f32 $1.280000000e+02, v4;
	v10 =	vadd.f32 v9, v8  }
0x28: {  	v12 =	vtrunc.f32 v7;
	v18 =	vtrunc.f32 v15;
	v2 =	vadd.s32 v2, v3  }
0x29: {  	v12 =	vcvt.f32.s32 v12;
	v3 =	vadd.s32 $0x82, v2;
	vm0 =	vgt.f32 v10, $1.000000000e+00  }
0x2a: {  	v5 =	vadd.f32 $1.000000000e+00, v5;
	v10 =	vtrunc.f32 v4;
	v11 =	vsel vm0, v3, v2  }
0x2b: {  	v3 =	vadd.s32 $0x81, v2;
	v10 =	vcvt.f32.s32 v10;
	v2 =	vadd.s32 $0x1, v2  }
0x2c: {  	v16 =	vld [tilespmem:s16+$0x80];
	v0 =	vsub.f32 v5, v0;
	v5 =	vadd.f32 $1.000000000e+00, v6;
	v13 =	vsel vm0, v3, v2  }
0x2d: {  	v6 =	vcvt.s32.f32 v12;
	v14 =	vcvt.s32.f32 v10  }
0x2e: {  	v21 =	vsel vm0, v0, v8;
	v0 =	vsub.f32 v5, v1;
	v17 =	vsel vm0, v2, v3  }
0x2f: {  	v5 =	vsub.f32 v7, v6;
	v3 =	vmul.u32 $0x81, v12;
	v2 =	vsub.f32 v4, v14  }
0x30: {  	v18 =	vcvt.f32.s32 v18;
	v8 =	vsub.f32 $1.000000000e+00, v21;
	v26 =	vsel vm0, v0, v9;
	v1 =	vld.idx.msk [tilespmem:v11+s9+$0x0], $0xffff  }
0x31: {  	v10 =	vadd.s32 v10, v3;
	v3 =	vmul.f32 $1.280000000e+02, v16;
	v0 =	vadd.f32 v5, v2;
	v9 =	vld.idx.msk [tilespmem:v13+s9+$0x0], $0xffff  }
0x32: {  	s30 =	simm.s32 $0x30;
	v23 =	vcvt.s32.f32 v18;
	v12 =	vsub.f32 v8, v26  }
0x33: {  	s18 =	sand.u32 $0x1F80, s30;
	v8 =	vadd.s32 $0x82, v10;
	v19 =	vtrunc.f32 v3;
	vm0 =	vgt.f32 v0, $1.000000000e+00;
	v0 =	vld.idx.msk [tilespmem:v17+s9+$0x0], $0xffff  }
0x34: {  	s18 =	sadd.s32 $0x30, s18;
	v16 =	vsel vm0, v8, v10;
	v8 =	vadd.s32 $0x81, v10;
	v10 =	vadd.s32 $0x1, v10  }
0x35: {  	s18 =	sand.u32 $0x1F80, s18;
	s17 =	sand.u32 $0x70, s30;
	v14 =	vadd.f32 $1.000000000e+00, v14;
	v19 =	vcvt.f32.s32 v19;
	v22 =	vsel vm0, v8, v10  }
0x36: {  	s17 =	sor.u32 s17, s18;
	v6 =	vadd.f32 $1.000000000e+00, v6;
	v1 =	vmul.f32 v12, v1;
	v9 =	vmul.f32 v21, v9  }
0x37: {  	v20 =	vld [tilespmem:s17+$0x0];
	v4 =	vsub.f32 v14, v4;
	v24 =	vcvt.s32.f32 v19;
	v10 =	vsel vm0, v10, v8  }
0x38: {  	v11 =	vld.idx.msk [tilespmem:v11+s8+$0x0], $0xffff;
	v8 =	vsub.f32 v15, v23;
	v9 =	vadd.f32 v1, v9;
	v0 =	vmul.f32 v26, v0  }
0x39: {  	v1 =	vsel vm0, v4, v2;
	v2 =	vsub.f32 v6, v7;
	v6 =	vsub.f32 v3, v24;
	v14 =	vld.idx.msk [tilespmem:v16+s9+$0x0], $0xffff  }
0x3a: {  	s31 =	simm.s32 $0x40;
	v4 =	vmul.u32 $0x81, v19;
	v7 =	vsub.f32 $1.000000000e+00, v1;
	v25 =	vld.idx.msk [tilespmem:v22+s9+$0x0], $0xffff  }
0x3b: {  	s19 =	sand.u32 $0x1F80, s31;
	v27 =	vld [tilespmem:s17+$0x80];
	v28 =	vadd.f32 v9, v0;
	v0 =	vsel vm0, v2, v5;
	v9 =	vadd.f32 v6, v8  }
0x3c: {  	s19 =	sadd.s32 $0x40, s19;
	v29 =	vld.idx.msk [tilespmem:v10+s9+$0x0], $0xffff;
	v4 =	vadd.s32 v18, v4;
	v2 =	vsub.f32 v7, v0  }
0x3d: {  	s19 =	sand.u32 $0x1F80, s19;
	s18 =	sand.u32 $0x70, s31;
	v30 =	vld.idx.msk [tilespmem:v17+s8+$0x0], $0xffff;
	v31 =	vmul.f32 v12, v11;
	v7 =	vadd.s32 $0x82, v4;
	vm0 =	vgt.f32 v9, $1.000000000e+00  }
0x3e: {  	s18 =	sor.u32 s18, s19;
	v17 =	vld.idx.msk [tilespmem:v13+s8+$0x0], $0xffff;
	v5 =	vmul.f32 $1.280000000e+02, v20;
	v7 =	vsel vm0, v7, v4;
	v12 =	vmul.f32 v2, v14  }
0x3f: {  	v19 =	vld [tilespmem:s18+$0x0];
	v14 =	vadd.s32 $0x81, v4;
	v4 =	vadd.s32 $0x1, v4;
	v13 =	vmul.f32 v1, v25  }
0x40: {  	v11 =	vmul.f32 $1.280000000e+02, v27;
	v18 =	vld [tilespmem:s18+$0x80];
	v20 =	vtrunc.f32 v5;
	v9 =	vsel vm0, v14, v4  }
0x41: {  	v10 =	vld.idx.msk [tilespmem:v10+s8+$0x0], $0xffff;
	v20 =	vcvt.f32.s32 v20;
	v27 =	vmul.f32 v0, v29;
	v25 =	vadd.f32 v12, v13  }
0x42: {  	v12 =	vsel vm0, v4, v14;
	v4 =	vtrunc.f32 v11;
	v14 =	vadd.f32 $1.000000000e+00, v23;
	v13 =	vld.idx.msk [tilespmem:v16+s8+$0x0], $0xffff  }
0x43: {  	v23 =	vcvt.f32.s32 v4;
	v4 =	vld.idx.msk [tilespmem:v22+s8+$0x0], $0xffff;
	v16 =	vadd.f32 v25, v27;
	v27 =	vmul.f32 v21, v17  }
0x44: {  	v24 =	vadd.f32 $1.000000000e+00, v24;
	[tilespmem:s14+$0xA380] =	vst v28;
	v22 =	vld.idx.msk [tilespmem:v7+s9+$0x0], $0xffff;
	v17 =	vcvt.s32.f32 v20;
	v25 =	vsub.f32 v14, v15  }
0x45: {  	s19 =	simm.s32 $0x50;
	v14 =	vcvt.s32.f32 v23;
	v21 =	vld.idx.msk [tilespmem:v9+s9+$0x0], $0xffff;
	[tilespmem:s15+$0xA380] =	vst v16;
	v15 =	vadd.f32 v31, v27;
	v16 =	vmul.f32 v26, v30  }
.LBB2_2:
0x46: {  	p0 =	sne.s32 s19, $0xFF0;
	v25 =	vsel vm0, v25, v8;
	v8 =	vsub.f32 v5, v17;
	v24 =	vsub.f32 v24, v3;
	v3 =	vmovc v11  }
0x47: {  	v23 =	vmul.u32 $0x81, v23;
	v28 =	vmovc v10;
	v11 =	vsub.f32 v3, v14;
	v26 =	vsub.f32 $1.000000000e+00, v25;
	v27 =	vld.idx.msk [tilespmem:v12+s9+$0x0], $0xffff  }
0x48: {  	s20 =	sand.u32 $0x1F80, s19;
	v29 =	vmul.f32 $1.280000000e+02, v19;
	v31 =	vmul.f32 v2, v13;
	v30 =	vsel vm0, v24, v6  }
0x49: {  	s20 =	sadd.s32 s20, s19;
	v13 =	vadd.s32 v20, v23;
	v10 =	vadd.f32 v11, v8;
	v2 =	vsub.f32 v26, v30;
	v6 =	vmovc v11  }
0x4a: {  	s21 =	sand.u32 $0x70, s19;
	s20 =	sand.u32 $0x1F80, s20;
	v20 =	vtrunc.f32 v29;
	v11 =	vmul.f32 $1.280000000e+02, v18;
	v18 =	vadd.s32 $0x82, v13  }
0x4b: {  	s20 =	sor.u32 s21, s20;
	v21 =	vmul.f32 v25, v21;
	vm0 =	vgt.f32 v10, $1.000000000e+00;
	v10 =	vmul.f32 v2, v22  }
0x4c: {  	v23 =	vadd.s32 $0x81, v13;
	v19 =	vld [tilespmem:s20+$0x0];
	v22 =	vsel vm0, v18, v13;
	v13 =	vadd.s32 $0x1, v13  }
0x4d: {  	v24 =	vmul.f32 v30, v27;
	v18 =	vld [tilespmem:s20+$0x80];
	v26 =	vsel vm0, v23, v13;
	v21 =	vadd.f32 v10, v21  }
.Ltmp0:
0x4e: {  	v15 =	vadd.f32 v15, v16;
	v20 =	vcvt.f32.s32 v20;
	v27 =	vtrunc.f32 v11;
	v10 =	vld.idx.msk [tilespmem:v12+s8+$0x0], $0xffff;
	(pc) =	sbr.rel @p0 .LBB2_2-.Ltmp0, $4  }
0x4f: {  	v16 =	vadd.f32 $1.000000000e+00, v17;
	v12 =	vsel vm0, v13, v23;
	v13 =	vld.idx.msk [tilespmem:v7+s8+$0x0], $0xffff;
	v21 =	vadd.f32 v21, v24;
	v7 =	vmovc v22  }
0x50: {  	v23 =	vcvt.f32.s32 v27;
	v27 =	vmul.f32 v1, v4;
	v1 =	vmovc v25;
	v4 =	vld.idx.msk [tilespmem:v9+s8+$0x0], $0xffff;
	[tilespmem:s14+$0xA300] =	vst v15;
	v9 =	vmov v26;
	s14 =	smov.u32 s15;
	s15 =	smov.u32 s16;
	s16 =	smov.u32 s17  }
0x51: {  	v17 =	vcvt.s32.f32 v20;
	v25 =	vsub.f32 v16, v5;
	v5 =	vmovc v29;
	v24 =	vadd.f32 $1.000000000e+00, v14;
	s17 =	smov.u32 s18;
	s18 =	smov.u32 s20;
	v22 =	vld.idx.msk [tilespmem:v22+s9+$0x0], $0xffff;
	[tilespmem:s15+$0xA380] =	vst v21  }
0x52: {  	s19 =	sadd.s32 $0x10, s19;
	v16 =	vmul.f32 v0, v28;
	v0 =	vmovc v30;
	v14 =	vcvt.s32.f32 v23;
	v15 =	vadd.f32 v31, v27;
	v21 =	vld.idx.msk [tilespmem:v26+s9+$0x0], $0xffff  }
0x53: {  	v26 =	vsub.f32 v5, v17;
	v19 =	vmul.f32 $1.280000000e+02, v19;
	v18 =	vmul.f32 $1.280000000e+02, v18  }
0x54: {  	v8 =	vsel vm0, v25, v8;
	v3 =	vsub.f32 v24, v3;
	v23 =	vmul.u32 $0x81, v23  }
0x55: {  	v53 =	vadd.f32 $1.000000000e+00, v17;
	v0 =	vmul.f32 v0, v10;
	v27 =	vsub.f32 v11, v14  }
0x56: {  	v47 =	vtrunc.f32 v19;
	v28 =	vtrunc.f32 v18;
	v20 =	vadd.s32 v20, v23  }
0x57: {  	v46 =	vadd.f32 v27, v26;
	v48 =	vcvt.f32.s32 v47;
	v49 =	vcvt.f32.s32 v28  }
0x58: {  	v50 =	vsub.f32 $1.000000000e+00, v8;
	v58 =	vadd.f32 $1.000000000e+00, v14;
	v51 =	vadd.s32 $0x82, v20  }
0x59: {  	vm1 =	vgt.f32 v46, $1.000000000e+00;
	v52 =	vcvt.s32.f32 v48;
	v29 =	vcvt.s32.f32 v49  }
0x5a: {  	v3 =	vsel vm0, v3, v6;
	v30 =	vadd.s32 $0x81, v20;
	v6 =	vsel vm1, v51, v20  }
0x5b: {  	v33 =	vld.idx.msk [tilespmem:v12+s9+$0x0], $0xffff;
	v20 =	vadd.s32 $0x1, v20;
	v31 =	vsub.f32 v19, v52;
	v32 =	vsub.f32 v18, v29  }
0x5c: {  	v54 =	vld.idx.msk [tilespmem:v12+s8+$0x0], $0xffff;
	v15 =	vadd.f32 v15, v16;
	v25 =	vmul.u32 $0x81, v49;
	v34 =	vsel vm1, v30, v20  }
0x5d: {  	v7 =	vld.idx.msk [tilespmem:v7+s8+$0x0], $0xffff;
	v2 =	vmul.f32 v2, v13;
	v20 =	vsel vm1, v20, v30;
	v55 =	vadd.f32 v32, v31  }
0x5e: {  	v9 =	vld.idx.msk [tilespmem:v9+s8+$0x0], $0xffff;
	v56 =	vsub.f32 v53, v5;
	v1 =	vmul.f32 v1, v4;
	v57 =	vadd.s32 v48, v25  }
0x5f: {  	v28 =	vsub.f32 v50, v3;
	v23 =	vadd.s32 $0x82, v57;
	vm15 =	vgt.f32 v55, $1.000000000e+00;
	v59 =	vld.idx.msk [tilespmem:v6+s9+$0x0], $0xffff  }
0x60: {  	v60 =	vadd.s32 $0x81, v57;
	v17 =	vadd.s32 $0x1, v57;
	v6 =	vld.idx.msk [tilespmem:v6+s8+$0x0], $0xffff;
	v23 =	vsel vm15, v23, v57  }
0x61: {  	v61 =	vsub.f32 v58, v11;
	v21 =	vmul.f32 v8, v21;
	v35 =	vld.idx.msk [tilespmem:v34+s9+$0x0], $0xffff;
	v62 =	vsel vm15, v60, v17  }
0x62: {  	v1 =	vadd.f32 v2, v1;
	v22 =	vmul.f32 v28, v22;
	v7 =	vmul.f32 v28, v7;
	v63 =	vld.idx.msk [tilespmem:v20+s9+$0x0], $0xffff  }
0x63: {  	v8 =	vmul.f32 v8, v9;
	v5 =	vsel vm1, v56, v26;
	v24 =	vadd.f32 $1.000000000e+00, v52;
	v38 =	vld.idx.msk [tilespmem:v34+s8+$0x0], $0xffff  }
0x64: {  	v0 =	vadd.f32 v1, v0;
	v30 =	vsub.f32 $1.000000000e+00, v5;
	v17 =	vsel vm15, v17, v60;
	v20 =	vld.idx.msk [tilespmem:v20+s8+$0x0], $0xffff  }
0x65: {  	v37 =	vmul.f32 v3, v33;
	v40 =	vadd.f32 $1.000000000e+00, v29;
	v36 =	vsub.f32 v24, v19;
	v41 =	vld.idx.msk [tilespmem:v23+s9+$0x0], $0xffff  }
0x66: {  	v11 =	vsel vm1, v61, v27;
	v21 =	vadd.f32 v22, v21;
	v7 =	vadd.f32 v7, v8;
	v43 =	vld.idx.msk [tilespmem:v62+s9+$0x0], $0xffff  }
0x67: {  	v39 =	vsub.f32 v30, v11;
	v18 =	vsub.f32 v40, v18;
	v42 =	vsel vm15, v36, v31;
	v48 =	vld.idx.msk [tilespmem:v23+s8+$0x0], $0xffff  }
0x68: {  	v50 =	vmul.f32 v3, v54;
	v19 =	vadd.f32 v21, v37;
	v47 =	vsub.f32 $1.000000000e+00, v42;
	v14 =	vld.idx.msk [tilespmem:v62+s8+$0x0], $0xffff  }
0x69: {  	v18 =	vsel vm15, v18, v32;
	v44 =	vmul.f32 v39, v59;
	v51 =	vmul.f32 v39, v6;
	v46 =	vld.idx.msk [tilespmem:v17+s9+$0x0], $0xffff  }
0x6a: {  	v2 =	vsub.f32 v47, v18;
	v45 =	vmul.f32 v5, v35;
	v49 =	vmul.f32 v11, v63;
	v52 =	vld.idx.msk [tilespmem:v17+s8+$0x0], $0xffff  }
0x6b: {  	v57 =	vadd.f32 v7, v50;
	v5 =	vmul.f32 v5, v38;
	v59 =	vmul.f32 v11, v20  }
0x6c: {  	[tilespmem:s14+$0xA300] =	vst v15;
	v21 =	vadd.f32 v44, v45;
	v54 =	vmul.f32 v2, v41;
	v55 =	vmul.f32 v42, v43  }
0x6d: {  	[tilespmem:s15+$0xA300] =	vst v0;
	v58 =	vadd.f32 v51, v5;
	v2 =	vmul.f32 v2, v48;
	v4 =	vmul.f32 v42, v14  }
0x6e: {  	[tilespmem:s16+$0xA380] =	vst v19;
	v53 =	vadd.f32 v21, v49;
	v56 =	vmul.f32 v18, v46;
	v12 =	vadd.f32 v54, v55  }
0x6f: {  	[tilespmem:s16+$0xA300] =	vst v57;
	v62 =	vadd.f32 v58, v59;
	v61 =	vmul.f32 v18, v52;
	v2 =	vadd.f32 v2, v4  }
0x70: {  	[tilespmem:s17+$0xA380] =	vst v53;
	v60 =	vadd.f32 v12, v56  }
0x71: {  	s13 =	sadd.s32 $0x1, s13;
	[tilespmem:s17+$0xA300] =	vst v62;
	v63 =	vadd.f32 v2, v61  }
0x72: {  	p0 =	sne.s32 s13, s7;
	[tilespmem:s18+$0xA380] =	vst v60  }
.Ltmp1:
0x73: {  	[tilespmem:s18+$0xA300] =	vst v63;
	(pc) =	sbr.rel @p0 .LBB2_1-.Ltmp1, $4  }
0x74: {  	[hbm4b:s6+s4] =	stream.linear.scatter [tilespmem:s11], [sflag:$0x2], $0x2000, $0x38;
	[tilespmem:$0xC300] =	vst v63  }
0x75: {  	_ =	swait.ge [sflag:s12], $0x2000  }
0x76: {  	[sflag:s12] =	ssyncset.done $0x0  }
0x77: {  	[sflag:s12] =	ssyncadd.s32 $0xFFFFE000  }
0x78: {  	_ =	sfence.sel $0x180000  }
0x79: {  	[bflag:$0x0] =	sbarrier.arrive $0xFFFF  }
0x7a: {  	p0 =	sne.s32 s3, $0x0;
	_ =	strace $0x90000047  }
0x7b: {  	s0 =	sadd.s32 @!p0 $0x100000, s0;
	[bflag:$0x2] =	sbarrier.arrive $0xFFFF  }
0x7c: {  	[sflag:s0] =	ssyncadd.tile.s32 @!p0 $0x1;
	_ =	shalt  }
.Lfunc_end2:
_tile_overlayer_lowered:
.L_overlay_start_2:
0x7d: {  	(tag) =	ssettag $0x2  }
0x7e: {  	s0 =	rddreg [dreg:$0x0];
	s2 =	stileid.u32  }
0x7f: {  	s1 =	rddreg [dreg:$0x1];
	p0 =	sne.s32 s2, $0x0  }
0x80: {  	s3 =	rddreg [dreg:$0x2];
	[bflag:$0x3] =	sbarrier.arrive $0xFFFF;
	s2 =	simm.s32 @!p0 $0x1C02  }
0x81: {  	[timem:s3], [sflag:s2] =	dma.local @!p0 [hbm:s0], s1  }
0x82: {  	s0 =	simm.s32 @!p0 $0x2  }
0x83: {  	_ =	swait.ge @!p0 [sflag:s0], s1  }
0x84: {  	s1 =	ssub.s32 @!p0 $0x0, s1;
	[sflag:s0] =	ssyncset.done @!p0 $0x0  }
0x85: {  	[sflag:s0] =	ssyncadd.s32 @!p0 s1  }
0x86: {  	[bflag:$0x3] =	sbarrier.arrive $0xFFFF  }
0x87: {  	_ =	shalt  }

</sc_bundles>
